<compile_context>
chip_gen: v7x
topology: tpu7x:2x2x1
jax: 0.10.2.dev20260603
libtpu: 0.0.44.dev20260713+nightly
codegen_flags: <defaults>
</compile_context>

<pallas_src>
import functools
import jax
import jax.numpy as jnp
from jax import lax
from jax.experimental import pallas as pl
from jax.experimental.pallas import tpu as pltpu
from jax.experimental.pallas import tpu_sc as plsc

N = 320000
D = 128
H = 256
S = 10000

B = 2560
S_PAD = 10240
NW = 32
RPW = N // NW
CDMA = 80
NCH = RPW // CDMA
SCB = 80
NSUB = CDMA // SCB


def _pointnet_body(x_ref, w1_ref, w2_ref, pt_ref):
    x = x_ref[...]
    h = jnp.dot(x.astype(jnp.bfloat16), w1_ref[...],
                preferred_element_type=jnp.float32)
    h_bf = jnp.maximum(h, 0.0).astype(jnp.bfloat16)
    pt_ref[...] = jnp.dot(h_bf, w2_ref[...],
                          preferred_element_type=jnp.float32)


def _segsum_sc_body(pt_hbm, idx_hbm, zeros_hbm, out_hbm,
                    idx_v, rows0, rows1, acc, sem0, sem1):
    cid = lax.axis_index("c")
    sid = lax.axis_index("s")
    wid = sid * 2 + cid
    base = wid * RPW

    pltpu.sync_copy(zeros_hbm,
                    acc.at[pl.ds(sid * (S_PAD // 16), S_PAD // 16)])
    pltpu.sync_copy(idx_hbm.at[wid], idx_v)
    plsc.subcore_barrier()

    def start(ch, buf, sem):
        pltpu.make_async_copy(
            pt_hbm.at[pl.ds(base + ch * CDMA, CDMA)], buf, sem).start()

    def finish(ch, buf, sem):
        pltpu.make_async_copy(
            pt_hbm.at[pl.ds(base + ch * CDMA, CDMA)], buf, sem).wait()
        for j in range(NSUB):
            pltpu.sync_copy(buf.at[pl.ds(j * SCB, SCB)],
                            acc.at[idx_v.at[ch * NSUB + j]], add=True)

    start(0, rows0, sem0)

    def body(g, carry):
        ch0 = 2 * g

        @pl.when(ch0 + 1 < NCH)
        def _():
            start(ch0 + 1, rows1, sem1)

        finish(ch0, rows0, sem0)

        @pl.when(ch0 + 2 < NCH)
        def _():
            start(ch0 + 2, rows0, sem0)

        @pl.when(ch0 + 1 < NCH)
        def _():
            finish(ch0 + 1, rows1, sem1)

        return carry

    lax.fori_loop(0, (NCH + 1) // 2, body, 0)

    plsc.subcore_barrier()
    pltpu.sync_copy(acc.at[pl.ds(sid * (S_PAD // 16), S_PAD // 16)],
                    out_hbm.at[cid, pl.ds(sid * (S_PAD // 16),
                                          S_PAD // 16)])


def _reduce_net_body(p_ref, w1r_ref, w2r_ref, out_ref):
    seg = p_ref[0] + p_ref[1]
    hr = jnp.dot(seg.astype(jnp.bfloat16), w1r_ref[...],
                 preferred_element_type=jnp.float32)
    hr_bf = jnp.maximum(hr, 0.0).astype(jnp.bfloat16)
    out_ref[...] = jnp.dot(hr_bf, w2r_ref[...],
                           preferred_element_type=jnp.float32)


def kernel(x, idx, W1p, b1p, W2p, b2p, W1r, b1r, W2r, b2r):
    nb = N // B
    pt = pl.pallas_call(
        _pointnet_body,
        grid=(nb,),
        in_specs=[
            pl.BlockSpec((B, D), lambda i: (i, 0)),
            pl.BlockSpec((D, H), lambda i: (0, 0)),
            pl.BlockSpec((H, D), lambda i: (0, 0)),
        ],
        out_specs=pl.BlockSpec((B, D), lambda i: (i, 0)),
        out_shape=jax.ShapeDtypeStruct((N, D), jnp.float32),
    )(x, W1p.astype(jnp.bfloat16), W2p.astype(jnp.bfloat16))

    idx3 = idx.astype(jnp.int32).reshape(NW, NCH * NSUB, SCB)
    zeros = jnp.zeros((S_PAD // 16, D), jnp.float32)

    mesh = plsc.VectorSubcoreMesh(core_axis_name="c", subcore_axis_name="s")
    parts = pl.kernel(
        _segsum_sc_body,
        out_type=jax.ShapeDtypeStruct((2, S_PAD, D), jnp.float32),
        mesh=mesh,
        scratch_types=[
            pltpu.VMEM((NCH * NSUB, SCB), jnp.int32),
            pltpu.VMEM((CDMA, D), jnp.float32),
            pltpu.VMEM((CDMA, D), jnp.float32),
            pltpu.VMEM_SHARED((S_PAD, D), jnp.float32),
            pltpu.SemaphoreType.DMA,
            pltpu.SemaphoreType.DMA,
        ],
    )(pt, idx3, zeros)

    sb = 2048
    out = pl.pallas_call(
        _reduce_net_body,
        grid=(S_PAD // sb,),
        in_specs=[
            pl.BlockSpec((2, sb, D), lambda i: (0, i, 0)),
            pl.BlockSpec((D, H), lambda i: (0, 0)),
            pl.BlockSpec((H, D), lambda i: (0, 0)),
        ],
        out_specs=pl.BlockSpec((sb, D), lambda i: (i, 0)),
        out_shape=jax.ShapeDtypeStruct((S_PAD, D), jnp.float32),
    )(parts, W1r.astype(jnp.bfloat16), W2r.astype(jnp.bfloat16))

    return out[:S]

# --- scband reference (transcript-rebuilt; emitter-appended) ---
"""Pipeline reference for scband-deep-set-module-8083128451626 (READ-ONLY COPY).

The authoritative reference and input builder live on the scoring server;
editing this copy changes nothing except your own understanding.
"""

import jax, jax.numpy as jnp
import numpy as np

N = 320000
D = 128
H = 256
S = 10000

def setup_inputs(seed: int = 0) -> dict:
    key = jax.random.key(seed)
    ks = jax.random.split(key, 10)
    x = jax.random.normal(ks[0], (N, D), dtype=jnp.float32)
    idx = jnp.sort(jax.random.randint(ks[1], (N,), 0, S, dtype=jnp.int64))
    W1p = jax.random.normal(ks[2], (D, H), dtype=jnp.float32) * 0.05
    b1p = jnp.zeros((H,), dtype=jnp.float32)
    W2p = jax.random.normal(ks[3], (H, D), dtype=jnp.float32) * 0.05
    b2p = jnp.zeros((D,), dtype=jnp.float32)
    W1r = jax.random.normal(ks[4], (D, H), dtype=jnp.float32) * 0.05
    b1r = jnp.zeros((H,), dtype=jnp.float32)
    W2r = jax.random.normal(ks[5], (H, D), dtype=jnp.float32) * 0.05
    b2r = jnp.zeros((D,), dtype=jnp.float32)
    return {"x": x, "idx": idx, "W1p": W1p, "b1p": b1p, "W2p": W2p, "b2p": b2p, "W1r": W1r, "b1r": b1r, "W2r": W2r, "b2r": b2r}

def reference(x, idx, W1p, b1p, W2p, b2p, W1r, b1r, W2r, b2r):
    # point_net: Linear(128,256) -> ReLU -> Linear(256,128)
    h = jax.nn.relu(x @ W1p + b1p)
    pt = h @ W2p + b2p
    # scatter(x, idx, dim=-2, reduce='sum') == segment_sum over rows
    seg = jax.ops.segment_sum(pt, idx, num_segments=S)
    # reduce_net: Linear(128,256) -> ReLU -> Linear(256,128)
    hr = jax.nn.relu(seg @ W1r + b1r)
    out = hr @ W2r + b2r
    return out

if __name__ == "__main__":
    import jax
    _d = setup_inputs()
    print(jax.jit(kernel)(*tuple(_d.values())))

</pallas_src>

<mosaic_0001>
#map = affine_map<(d0, d1) -> (0, 0)>
#map1 = affine_map<(d0, d1) -> (0, 0, 0)>
module attributes {stable_mosaic.version = 14 : i64} {
  func.func @_segsum_sc_body(%arg0: i32, %arg1: i32, %arg2: memref<320000x128xf32, #tpu.memory_space<hbm>>, %arg3: memref<32x125x80xi32, #tpu.memory_space<hbm>>, %arg4: memref<640x128xf32, #tpu.memory_space<hbm>>, %arg5: memref<2x10240x128xf32, #tpu.memory_space<hbm>>, %arg6: memref<125x80xi32, #tpu.memory_space<vmem>>, %arg7: memref<80x128xf32, #tpu.memory_space<vmem>>, %arg8: memref<80x128xf32, #tpu.memory_space<vmem>>, %arg9: memref<10240x128xf32, #tpu.memory_space<vmem_shared>>, %arg10: memref<!tpu.dma_semaphore, #tpu.memory_space<semaphore_mem>>, %arg11: memref<!tpu.dma_semaphore, #tpu.memory_space<semaphore_mem>>) attributes {dimension_semantics = [#tpu.dimension_semantics<core_parallel>, #tpu.dimension_semantics<subcore_parallel>], iteration_bounds = array<i64: 2, 16>, scalar_prefetch = 0 : i64, scratch_operands = 6 : i64, tpu.core_type = #tpu.core_type<sc_vector_subcore>, window_params = [{transform_indices = #map}, {transform_indices = #map1}, {transform_indices = #map}, {transform_indices = #map1}]} {
    %mul3A = arith.constant 2 : i32
    %mul3A_0 = arith.muli %arg1, %mul3A : i32
    %add3A = arith.addi %mul3A_0, %arg0 : i32
    %mul3A_1 = arith.constant 10000 : i32
    %mul3A_2 = arith.muli %add3A, %mul3A_1 : i32
    %mul3A_3 = arith.constant 640 : i32
    %mul3A_4 = arith.muli %arg1, %mul3A_3 : i32
    "tpu.region"() ({
      %run_scoped3A = tpu.sem_alloc : memref<!tpu.dma_semaphore, #tpu.memory_space<semaphore_mem>>
      %dma_start3A_20 = arith.constant 0 : i32
      %dma_start3A_21 = tpu.memref_slice %arg9[%mul3A_4, %dma_start3A_20] : memref<10240x128xf32, #tpu.memory_space<vmem_shared>> -> memref<640x128xf32, #tpu.memory_space<vmem_shared>>
      tpu.enqueue_dma source(%arg4 : memref<640x128xf32, #tpu.memory_space<hbm>>) target(%dma_start3A_21 : memref<640x128xf32, #tpu.memory_space<vmem_shared>>) target_semaphore(%run_scoped3A : memref<!tpu.dma_semaphore, #tpu.memory_space<semaphore_mem>>)
      %dma_wait3A = arith.constant 0 : i32
      %dma_wait3A_22 = tpu.memref_slice %arg9[%mul3A_4, %dma_wait3A] : memref<10240x128xf32, #tpu.memory_space<vmem_shared>> -> memref<640x128xf32, #tpu.memory_space<vmem_shared>>
      tpu.wait_dma2 semaphore(%run_scoped3A : memref<!tpu.dma_semaphore, #tpu.memory_space<semaphore_mem>>) src(%arg4 : memref<640x128xf32, #tpu.memory_space<hbm>>) dst(%dma_wait3A_22 : memref<640x128xf32, #tpu.memory_space<vmem_shared>>)
      tpu.yield
    }) : () -> ()
    "tpu.region"() ({
      %run_scoped3A = tpu.sem_alloc : memref<!tpu.dma_semaphore, #tpu.memory_space<semaphore_mem>>
      %dma_start3A_20 = arith.constant 0 : i32
      %dma_start3A_21 = arith.constant 0 : i32
      %dma_start3A_22 = tpu.memref_slice %arg3[%add3A, %dma_start3A_20, %dma_start3A_21] : memref<32x125x80xi32, #tpu.memory_space<hbm>> -> memref<1x125x80xi32, #tpu.memory_space<hbm>>
      %dma_start3A_23 = tpu.memref_squeeze %dma_start3A_22 : memref<1x125x80xi32, #tpu.memory_space<hbm>> -> memref<125x80xi32, #tpu.memory_space<hbm>>
      %dma_start3A_24 = arith.constant 0 : i32
      %dma_start3A_25 = arith.constant 0 : i32
      %dma_start3A_26 = tpu.memref_slice %arg3[%add3A, %dma_start3A_24, %dma_start3A_25] : memref<32x125x80xi32, #tpu.memory_space<hbm>> -> memref<1x125x80xi32, #tpu.memory_space<hbm>>
      %dma_start3A_27 = tpu.memref_squeeze %dma_start3A_26 : memref<1x125x80xi32, #tpu.memory_space<hbm>> -> memref<125x80xi32, #tpu.memory_space<hbm>>
      tpu.enqueue_dma source(%dma_start3A_27 : memref<125x80xi32, #tpu.memory_space<hbm>>) target(%arg6 : memref<125x80xi32, #tpu.memory_space<vmem>>) target_semaphore(%run_scoped3A : memref<!tpu.dma_semaphore, #tpu.memory_space<semaphore_mem>>)
      %dma_wait3A = arith.constant 0 : i32
      %dma_wait3A_28 = arith.constant 0 : i32
      %dma_wait3A_29 = tpu.memref_slice %arg3[%add3A, %dma_wait3A, %dma_wait3A_28] : memref<32x125x80xi32, #tpu.memory_space<hbm>> -> memref<1x125x80xi32, #tpu.memory_space<hbm>>
      %dma_wait3A_30 = tpu.memref_squeeze %dma_wait3A_29 : memref<1x125x80xi32, #tpu.memory_space<hbm>> -> memref<125x80xi32, #tpu.memory_space<hbm>>
      %dma_wait3A_31 = arith.constant 0 : i32
      %dma_wait3A_32 = arith.constant 0 : i32
      %dma_wait3A_33 = tpu.memref_slice %arg3[%add3A, %dma_wait3A_31, %dma_wait3A_32] : memref<32x125x80xi32, #tpu.memory_space<hbm>> -> memref<1x125x80xi32, #tpu.memory_space<hbm>>
      %dma_wait3A_34 = tpu.memref_squeeze %dma_wait3A_33 : memref<1x125x80xi32, #tpu.memory_space<hbm>> -> memref<125x80xi32, #tpu.memory_space<hbm>>
      tpu.wait_dma2 semaphore(%run_scoped3A : memref<!tpu.dma_semaphore, #tpu.memory_space<semaphore_mem>>) src(%dma_wait3A_34 : memref<125x80xi32, #tpu.memory_space<hbm>>) dst(%arg6 : memref<125x80xi32, #tpu.memory_space<vmem>>)
      tpu.yield
    }) : () -> ()
    %barrier3A = arith.constant 0 : index
    tpu.barrier barrier_id(%barrier3A)
    %add3A_5 = arith.constant 0 : i32
    %add3A_6 = arith.addi %mul3A_2, %add3A_5 : i32
    %dma_start3A = arith.constant 0 : i32
    %dma_start3A_7 = tpu.memref_slice %arg2[%add3A_6, %dma_start3A] : memref<320000x128xf32, #tpu.memory_space<hbm>> -> memref<80x128xf32, #tpu.memory_space<hbm>>
    %dma_start3A_8 = arith.constant 0 : i32
    %dma_start3A_9 = tpu.memref_slice %arg2[%add3A_6, %dma_start3A_8] : memref<320000x128xf32, #tpu.memory_space<hbm>> -> memref<80x128xf32, #tpu.memory_space<hbm>>
    tpu.enqueue_dma source(%dma_start3A_9 : memref<80x128xf32, #tpu.memory_space<hbm>>) target(%arg7 : memref<80x128xf32, #tpu.memory_space<vmem>>) target_semaphore(%arg10 : memref<!tpu.dma_semaphore, #tpu.memory_space<semaphore_mem>>)
    %scan3A = arith.constant 0 : i32
    %scan3A_10 = arith.constant 0 : i32
    %scan3A_11 = arith.constant 63 : i32
    %scan3A_12 = arith.addi %scan3A_10, %scan3A_11 : i32
    %scan3A_13 = arith.constant 1 : i32
    scf.for %scan3A_20 = %scan3A_10 to %scan3A_12 step %scan3A_13  : i32 {
      %mul3A_21 = arith.constant 2 : i32
      %mul3A_22 = arith.muli %mul3A_21, %scan3A_20 : i32
      %add3A_23 = arith.constant 1 : i32
      %add3A_24 = arith.addi %mul3A_22, %add3A_23 : i32
      %lt3A = arith.constant 125 : i32
      %lt3A_25 = arith.cmpi slt, %add3A_24, %lt3A : i32
      %convert_element_type3A = arith.extui %lt3A_25 : i1 to i32
      %cond3A = arith.constant 0 : i32
      %cond3A_26 = arith.cmpi ne, %convert_element_type3A, %cond3A : i32
      scf.if %cond3A_26 {
        %add3A_51 = arith.constant 1 : i32
        %add3A_52 = arith.addi %mul3A_22, %add3A_51 : i32
        %mul3A_53 = arith.constant 80 : i32
        %mul3A_54 = arith.muli %add3A_52, %mul3A_53 : i32
        %add3A_55 = arith.addi %mul3A_2, %mul3A_54 : i32
        %dma_start3A_56 = arith.constant 0 : i32
        %dma_start3A_57 = tpu.memref_slice %arg2[%add3A_55, %dma_start3A_56] : memref<320000x128xf32, #tpu.memory_space<hbm>> -> memref<80x128xf32, #tpu.memory_space<hbm>>
        %dma_start3A_58 = arith.constant 0 : i32
        %dma_start3A_59 = tpu.memref_slice %arg2[%add3A_55, %dma_start3A_58] : memref<320000x128xf32, #tpu.memory_space<hbm>> -> memref<80x128xf32, #tpu.memory_space<hbm>>
        tpu.enqueue_dma source(%dma_start3A_59 : memref<80x128xf32, #tpu.memory_space<hbm>>) target(%arg8 : memref<80x128xf32, #tpu.memory_space<vmem>>) target_semaphore(%arg11 : memref<!tpu.dma_semaphore, #tpu.memory_space<semaphore_mem>>)
      } else {
      }
      %mul3A_27 = arith.constant 80 : i32
      %mul3A_28 = arith.muli %mul3A_22, %mul3A_27 : i32
      %add3A_29 = arith.addi %mul3A_2, %mul3A_28 : i32
      %dma_wait3A = arith.constant 0 : i32
      %dma_wait3A_30 = tpu.memref_slice %arg2[%add3A_29, %dma_wait3A] : memref<320000x128xf32, #tpu.memory_space<hbm>> -> memref<80x128xf32, #tpu.memory_space<hbm>>
      %dma_wait3A_31 = arith.constant 0 : i32
      %dma_wait3A_32 = tpu.memref_slice %arg2[%add3A_29, %dma_wait3A_31] : memref<320000x128xf32, #tpu.memory_space<hbm>> -> memref<80x128xf32, #tpu.memory_space<hbm>>
      tpu.wait_dma2 semaphore(%arg10 : memref<!tpu.dma_semaphore, #tpu.memory_space<semaphore_mem>>) src(%dma_wait3A_32 : memref<80x128xf32, #tpu.memory_space<hbm>>) dst(%arg7 : memref<80x128xf32, #tpu.memory_space<vmem>>)
      %mul3A_33 = arith.constant 1 : i32
      %mul3A_34 = arith.muli %mul3A_22, %mul3A_33 : i32
      %add3A_35 = arith.constant 0 : i32
      %add3A_36 = arith.addi %mul3A_34, %add3A_35 : i32
      "tpu.region"() ({
        %run_scoped3A = tpu.sem_alloc : memref<!tpu.dma_semaphore, #tpu.memory_space<semaphore_mem>>
        %dma_start3A_51 = arith.constant 0 : i32
        %dma_start3A_52 = arith.constant 0 : i32
        %dma_start3A_53 = tpu.memref_slice %arg7[%dma_start3A_51, %dma_start3A_52] : memref<80x128xf32, #tpu.memory_space<vmem>> -> memref<80x128xf32, #tpu.memory_space<vmem>>
        %dma_start3A_54 = arith.constant 0 : i32
        %dma_start3A_55 = tpu.memref_slice %arg6[%add3A_36, %dma_start3A_54] : memref<125x80xi32, #tpu.memory_space<vmem>> -> memref<1x80xi32, #tpu.memory_space<vmem>>
        %dma_start3A_56 = tpu.memref_squeeze %dma_start3A_55 : memref<1x80xi32, #tpu.memory_space<vmem>> -> memref<80xi32, #tpu.memory_space<vmem>>
        %dma_start3A_57 = arith.constant 0 : i32
        %dma_start3A_58 = arith.constant 0 : i32
        %dma_start3A_59 = tpu.memref_slice %arg9[%dma_start3A_57, %dma_start3A_58] : memref<10240x128xf32, #tpu.memory_space<vmem_shared>> -> memref<10240x128xf32, #tpu.memory_space<vmem_shared>>
        tpu.enqueue_indirect_dma source(%dma_start3A_53 : memref<80x128xf32, #tpu.memory_space<vmem>>) target(%dma_start3A_59 : memref<10240x128xf32, #tpu.memory_space<vmem_shared>>) offsets(%dma_start3A_56 : memref<80xi32, #tpu.memory_space<vmem>>) semaphore(%run_scoped3A : memref<!tpu.dma_semaphore, #tpu.memory_space<semaphore_mem>>) {add = true}
        %dma_wait3A_60 = arith.constant 0 : i32
        %dma_wait3A_61 = arith.constant 0 : i32
        %dma_wait3A_62 = tpu.memref_slice %arg7[%dma_wait3A_60, %dma_wait3A_61] : memref<80x128xf32, #tpu.memory_space<vmem>> -> memref<80x128xf32, #tpu.memory_space<vmem>>
        %dma_wait3A_63 = arith.constant 0 : i32
        %dma_wait3A_64 = tpu.memref_slice %arg6[%add3A_36, %dma_wait3A_63] : memref<125x80xi32, #tpu.memory_space<vmem>> -> memref<1x80xi32, #tpu.memory_space<vmem>>
        %dma_wait3A_65 = tpu.memref_squeeze %dma_wait3A_64 : memref<1x80xi32, #tpu.memory_space<vmem>> -> memref<80xi32, #tpu.memory_space<vmem>>
        %dma_wait3A_66 = arith.constant 0 : i32
        %dma_wait3A_67 = arith.constant 0 : i32
        %dma_wait3A_68 = tpu.memref_slice %arg9[%dma_wait3A_66, %dma_wait3A_67] : memref<10240x128xf32, #tpu.memory_space<vmem_shared>> -> memref<10240x128xf32, #tpu.memory_space<vmem_shared>>
        tpu.wait_indirect_dma semaphore(%run_scoped3A : memref<!tpu.dma_semaphore, #tpu.memory_space<semaphore_mem>>) src(%dma_wait3A_62 : memref<80x128xf32, #tpu.memory_space<vmem>>) dst(%dma_wait3A_68 : memref<10240x128xf32, #tpu.memory_space<vmem_shared>>)
        tpu.yield
      }) : () -> ()
      %add3A_37 = arith.constant 2 : i32
      %add3A_38 = arith.addi %mul3A_22, %add3A_37 : i32
      %lt3A_39 = arith.constant 125 : i32
      %lt3A_40 = arith.cmpi slt, %add3A_38, %lt3A_39 : i32
      %convert_element_type3A_41 = arith.extui %lt3A_40 : i1 to i32
      %cond3A_42 = arith.constant 0 : i32
      %cond3A_43 = arith.cmpi ne, %convert_element_type3A_41, %cond3A_42 : i32
      scf.if %cond3A_43 {
        %add3A_51 = arith.constant 2 : i32
        %add3A_52 = arith.addi %mul3A_22, %add3A_51 : i32
        %mul3A_53 = arith.constant 80 : i32
        %mul3A_54 = arith.muli %add3A_52, %mul3A_53 : i32
        %add3A_55 = arith.addi %mul3A_2, %mul3A_54 : i32
        %dma_start3A_56 = arith.constant 0 : i32
        %dma_start3A_57 = tpu.memref_slice %arg2[%add3A_55, %dma_start3A_56] : memref<320000x128xf32, #tpu.memory_space<hbm>> -> memref<80x128xf32, #tpu.memory_space<hbm>>
        %dma_start3A_58 = arith.constant 0 : i32
        %dma_start3A_59 = tpu.memref_slice %arg2[%add3A_55, %dma_start3A_58] : memref<320000x128xf32, #tpu.memory_space<hbm>> -> memref<80x128xf32, #tpu.memory_space<hbm>>
        tpu.enqueue_dma source(%dma_start3A_59 : memref<80x128xf32, #tpu.memory_space<hbm>>) target(%arg7 : memref<80x128xf32, #tpu.memory_space<vmem>>) target_semaphore(%arg10 : memref<!tpu.dma_semaphore, #tpu.memory_space<semaphore_mem>>)
      } else {
      }
      %add3A_44 = arith.constant 1 : i32
      %add3A_45 = arith.addi %mul3A_22, %add3A_44 : i32
      %lt3A_46 = arith.constant 125 : i32
      %lt3A_47 = arith.cmpi slt, %add3A_45, %lt3A_46 : i32
      %convert_element_type3A_48 = arith.extui %lt3A_47 : i1 to i32
      %cond3A_49 = arith.constant 0 : i32
      %cond3A_50 = arith.cmpi ne, %convert_element_type3A_48, %cond3A_49 : i32
      scf.if %cond3A_50 {
        %add3A_51 = arith.constant 1 : i32
        %add3A_52 = arith.addi %mul3A_22, %add3A_51 : i32
        %mul3A_53 = arith.constant 80 : i32
        %mul3A_54 = arith.muli %add3A_52, %mul3A_53 : i32
        %add3A_55 = arith.addi %mul3A_2, %mul3A_54 : i32
        %dma_wait3A_56 = arith.constant 0 : i32
        %dma_wait3A_57 = tpu.memref_slice %arg2[%add3A_55, %dma_wait3A_56] : memref<320000x128xf32, #tpu.memory_space<hbm>> -> memref<80x128xf32, #tpu.memory_space<hbm>>
        %dma_wait3A_58 = arith.constant 0 : i32
        %dma_wait3A_59 = tpu.memref_slice %arg2[%add3A_55, %dma_wait3A_58] : memref<320000x128xf32, #tpu.memory_space<hbm>> -> memref<80x128xf32, #tpu.memory_space<hbm>>
        tpu.wait_dma2 semaphore(%arg11 : memref<!tpu.dma_semaphore, #tpu.memory_space<semaphore_mem>>) src(%dma_wait3A_59 : memref<80x128xf32, #tpu.memory_space<hbm>>) dst(%arg8 : memref<80x128xf32, #tpu.memory_space<vmem>>)
        %mul3A_60 = arith.constant 1 : i32
        %mul3A_61 = arith.muli %add3A_52, %mul3A_60 : i32
        %add3A_62 = arith.constant 0 : i32
        %add3A_63 = arith.addi %mul3A_61, %add3A_62 : i32
        "tpu.region"() ({
          %run_scoped3A = tpu.sem_alloc : memref<!tpu.dma_semaphore, #tpu.memory_space<semaphore_mem>>
          %dma_start3A_64 = arith.constant 0 : i32
          %dma_start3A_65 = arith.constant 0 : i32
          %dma_start3A_66 = tpu.memref_slice %arg8[%dma_start3A_64, %dma_start3A_65] : memref<80x128xf32, #tpu.memory_space<vmem>> -> memref<80x128xf32, #tpu.memory_space<vmem>>
          %dma_start3A_67 = arith.constant 0 : i32
          %dma_start3A_68 = tpu.memref_slice %arg6[%add3A_63, %dma_start3A_67] : memref<125x80xi32, #tpu.memory_space<vmem>> -> memref<1x80xi32, #tpu.memory_space<vmem>>
          %dma_start3A_69 = tpu.memref_squeeze %dma_start3A_68 : memref<1x80xi32, #tpu.memory_space<vmem>> -> memref<80xi32, #tpu.memory_space<vmem>>
          %dma_start3A_70 = arith.constant 0 : i32
          %dma_start3A_71 = arith.constant 0 : i32
          %dma_start3A_72 = tpu.memref_slice %arg9[%dma_start3A_70, %dma_start3A_71] : memref<10240x128xf32, #tpu.memory_space<vmem_shared>> -> memref<10240x128xf32, #tpu.memory_space<vmem_shared>>
          tpu.enqueue_indirect_dma source(%dma_start3A_66 : memref<80x128xf32, #tpu.memory_space<vmem>>) target(%dma_start3A_72 : memref<10240x128xf32, #tpu.memory_space<vmem_shared>>) offsets(%dma_start3A_69 : memref<80xi32, #tpu.memory_space<vmem>>) semaphore(%run_scoped3A : memref<!tpu.dma_semaphore, #tpu.memory_space<semaphore_mem>>) {add = true}
          %dma_wait3A_73 = arith.constant 0 : i32
          %dma_wait3A_74 = arith.constant 0 : i32
          %dma_wait3A_75 = tpu.memref_slice %arg8[%dma_wait3A_73, %dma_wait3A_74] : memref<80x128xf32, #tpu.memory_space<vmem>> -> memref<80x128xf32, #tpu.memory_space<vmem>>
          %dma_wait3A_76 = arith.constant 0 : i32
          %dma_wait3A_77 = tpu.memref_slice %arg6[%add3A_63, %dma_wait3A_76] : memref<125x80xi32, #tpu.memory_space<vmem>> -> memref<1x80xi32, #tpu.memory_space<vmem>>
          %dma_wait3A_78 = tpu.memref_squeeze %dma_wait3A_77 : memref<1x80xi32, #tpu.memory_space<vmem>> -> memref<80xi32, #tpu.memory_space<vmem>>
          %dma_wait3A_79 = arith.constant 0 : i32
          %dma_wait3A_80 = arith.constant 0 : i32
          %dma_wait3A_81 = tpu.memref_slice %arg9[%dma_wait3A_79, %dma_wait3A_80] : memref<10240x128xf32, #tpu.memory_space<vmem_shared>> -> memref<10240x128xf32, #tpu.memory_space<vmem_shared>>
          tpu.wait_indirect_dma semaphore(%run_scoped3A : memref<!tpu.dma_semaphore, #tpu.memory_space<semaphore_mem>>) src(%dma_wait3A_75 : memref<80x128xf32, #tpu.memory_space<vmem>>) dst(%dma_wait3A_81 : memref<10240x128xf32, #tpu.memory_space<vmem_shared>>)
          tpu.yield
        }) : () -> ()
      } else {
      }
    }
    %scan3A_14 = arith.constant 63 : i32
    %barrier3A_15 = arith.constant 0 : index
    tpu.barrier barrier_id(%barrier3A_15)
    %mul3A_16 = arith.constant 640 : i32
    %mul3A_17 = arith.muli %arg1, %mul3A_16 : i32
    %mul3A_18 = arith.constant 640 : i32
    %mul3A_19 = arith.muli %arg1, %mul3A_18 : i32
    "tpu.region"() ({
      %run_scoped3A = tpu.sem_alloc : memref<!tpu.dma_semaphore, #tpu.memory_space<semaphore_mem>>
      %dma_start3A_20 = arith.constant 0 : i32
      %dma_start3A_21 = tpu.memref_slice %arg5[%arg0, %mul3A_19, %dma_start3A_20] : memref<2x10240x128xf32, #tpu.memory_space<hbm>> -> memref<1x640x128xf32, #tpu.memory_space<hbm>>
      %dma_start3A_22 = tpu.memref_squeeze %dma_start3A_21 : memref<1x640x128xf32, #tpu.memory_space<hbm>> -> memref<640x128xf32, #tpu.memory_space<hbm>>
      %dma_start3A_23 = arith.constant 0 : i32
      %dma_start3A_24 = tpu.memref_slice %arg9[%mul3A_17, %dma_start3A_23] : memref<10240x128xf32, #tpu.memory_space<vmem_shared>> -> memref<640x128xf32, #tpu.memory_space<vmem_shared>>
      tpu.enqueue_dma source(%dma_start3A_24 : memref<640x128xf32, #tpu.memory_space<vmem_shared>>) target(%dma_start3A_22 : memref<640x128xf32, #tpu.memory_space<hbm>>) target_semaphore(%run_scoped3A : memref<!tpu.dma_semaphore, #tpu.memory_space<semaphore_mem>>)
      %dma_wait3A = arith.constant 0 : i32
      %dma_wait3A_25 = tpu.memref_slice %arg5[%arg0, %mul3A_19, %dma_wait3A] : memref<2x10240x128xf32, #tpu.memory_space<hbm>> -> memref<1x640x128xf32, #tpu.memory_space<hbm>>
      %dma_wait3A_26 = tpu.memref_squeeze %dma_wait3A_25 : memref<1x640x128xf32, #tpu.memory_space<hbm>> -> memref<640x128xf32, #tpu.memory_space<hbm>>
      %dma_wait3A_27 = arith.constant 0 : i32
      %dma_wait3A_28 = tpu.memref_slice %arg9[%mul3A_17, %dma_wait3A_27] : memref<10240x128xf32, #tpu.memory_space<vmem_shared>> -> memref<640x128xf32, #tpu.memory_space<vmem_shared>>
      tpu.wait_dma2 semaphore(%run_scoped3A : memref<!tpu.dma_semaphore, #tpu.memory_space<semaphore_mem>>) src(%dma_wait3A_28 : memref<640x128xf32, #tpu.memory_space<vmem_shared>>) dst(%dma_wait3A_26 : memref<640x128xf32, #tpu.memory_space<hbm>>)
      tpu.yield
    }) : () -> ()
    return
  }
}

module attributes {stable_mosaic.version = 14 : i64} {
  func.func @_pointnet_body(%arg0: i32, %arg1: memref<2560x128xf32, #tpu.memory_space<vmem>>, %arg2: memref<128x256xbf16, #tpu.memory_space<vmem>>, %arg3: memref<256x128xbf16, #tpu.memory_space<vmem>>, %arg4: memref<2560x128xf32, #tpu.memory_space<vmem>>) attributes {dimension_semantics = [#tpu.dimension_semantics<arbitrary>], iteration_bounds = array<i64: 125>, scalar_prefetch = 0 : i64, scratch_operands = 0 : i64, tpu.core_type = #tpu.core_type<tc>, window_params = [{transform_indices = @transform_0, window_bounds = array<i64: 2560, 128>}, {pipeline_mode = #tpu.pipeline_mode<synchronous>, transform_indices = @transform_1, window_bounds = array<i64: 128, 256>}, {pipeline_mode = #tpu.pipeline_mode<synchronous>, transform_indices = @transform_2, window_bounds = array<i64: 256, 128>}, {transform_indices = @transform_3, window_bounds = array<i64: 2560, 128>}]} {
    %get3A = arith.constant 0 : index
    %get3A_0 = arith.constant 0 : index
    %get3A_1 = vector.load %arg1[%get3A, %get3A_0] : memref<2560x128xf32, #tpu.memory_space<vmem>>, vector<2560x128xf32>
    %convert_element_type3A = arith.truncf %get3A_1 : vector<2560x128xf32> to vector<2560x128xbf16>
    %get3A_2 = arith.constant 0 : index
    %get3A_3 = arith.constant 0 : index
    %get3A_4 = vector.load %arg2[%get3A_2, %get3A_3] : memref<128x256xbf16, #tpu.memory_space<vmem>>, vector<128x256xbf16>
    %dot_general3A = arith.constant dense<0.000000e+00> : vector<2560x256xf32>
    %dot_general3A_5 = tpu.matmul %convert_element_type3A, %get3A_4, %dot_general3A {dimension_numbers = #tpu.dot_dimension_numbers<[1], [0], [0], [1], [0, 0, 1, 1], [], []>, transpose_lhs_hint = false} : vector<2560x128xbf16>, vector<128x256xbf16>, vector<2560x256xf32> -> vector<2560x256xf32>
    %max3A = arith.constant 0.000000e+00 : f32
    %max3A_6 = vector.broadcast %max3A : f32 to vector<2560x256xf32>
    %max3A_7 = arith.maximumf %dot_general3A_5, %max3A_6 : vector<2560x256xf32>
    %convert_element_type3A_8 = arith.truncf %max3A_7 : vector<2560x256xf32> to vector<2560x256xbf16>
    %get3A_9 = arith.constant 0 : index
    %get3A_10 = arith.constant 0 : index
    %get3A_11 = vector.load %arg3[%get3A_9, %get3A_10] : memref<256x128xbf16, #tpu.memory_space<vmem>>, vector<256x128xbf16>
    %dot_general3A_12 = arith.constant dense<0.000000e+00> : vector<2560x128xf32>
    %dot_general3A_13 = tpu.matmul %convert_element_type3A_8, %get3A_11, %dot_general3A_12 {dimension_numbers = #tpu.dot_dimension_numbers<[1], [0], [0], [1], [0, 0, 1, 1], [], []>, transpose_lhs_hint = false} : vector<2560x256xbf16>, vector<256x128xbf16>, vector<2560x128xf32> -> vector<2560x128xf32>
    %swap3A = arith.constant 0 : index
    %swap3A_14 = arith.constant 0 : index
    %swap3A_15 = vector.load %arg4[%swap3A, %swap3A_14] : memref<2560x128xf32, #tpu.memory_space<vmem>>, vector<2560x128xf32>
    tpu.vector_store %arg4[%swap3A, %swap3A_14], %dot_general3A_13 {strides = array<i32>} : memref<2560x128xf32, #tpu.memory_space<vmem>>, vector<2560x128xf32>,
    return
  }
  func.func @transform_0(%arg0: i32) -> (i32, i32) {
    %c0_i32 = arith.constant 0 : i32
    %c0_i32_0 = arith.constant 0 : i32
    return %arg0, %c0_i32 : i32, i32
  }
  func.func @transform_1(%arg0: i32) -> (i32, i32) {
    %c0_i32 = arith.constant 0 : i32
    %c0_i32_0 = arith.constant 0 : i32
    %c0_i32_1 = arith.constant 0 : i32
    return %c0_i32, %c0_i32_0 : i32, i32
  }
  func.func @transform_2(%arg0: i32) -> (i32, i32) {
    %c0_i32 = arith.constant 0 : i32
    %c0_i32_0 = arith.constant 0 : i32
    %c0_i32_1 = arith.constant 0 : i32
    return %c0_i32, %c0_i32_0 : i32, i32
  }
  func.func @transform_3(%arg0: i32) -> (i32, i32) {
    %c0_i32 = arith.constant 0 : i32
    %c0_i32_0 = arith.constant 0 : i32
    return %arg0, %c0_i32 : i32, i32
  }
}

module attributes {stable_mosaic.version = 14 : i64} {
  func.func @_reduce_net_body(%arg0: i32, %arg1: memref<2x2048x128xf32, #tpu.memory_space<vmem>>, %arg2: memref<128x256xbf16, #tpu.memory_space<vmem>>, %arg3: memref<256x128xbf16, #tpu.memory_space<vmem>>, %arg4: memref<2048x128xf32, #tpu.memory_space<vmem>>) attributes {dimension_semantics = [#tpu.dimension_semantics<arbitrary>], iteration_bounds = array<i64: 5>, scalar_prefetch = 0 : i64, scratch_operands = 0 : i64, tpu.core_type = #tpu.core_type<tc>, window_params = [{transform_indices = @transform_0, window_bounds = array<i64: 2, 2048, 128>}, {pipeline_mode = #tpu.pipeline_mode<synchronous>, transform_indices = @transform_1, window_bounds = array<i64: 128, 256>}, {pipeline_mode = #tpu.pipeline_mode<synchronous>, transform_indices = @transform_2, window_bounds = array<i64: 256, 128>}, {transform_indices = @transform_3, window_bounds = array<i64: 2048, 128>}]} {
    %get3A = arith.constant 0 : index
    %get3A_0 = arith.constant 0 : index
    %get3A_1 = arith.constant 0 : index
    %get3A_2 = vector.load %arg1[%get3A, %get3A_0, %get3A_1] : memref<2x2048x128xf32, #tpu.memory_space<vmem>>, vector<1x2048x128xf32>
    %get3A_3 = vector.shape_cast %get3A_2 : vector<1x2048x128xf32> to vector<2048x128xf32>
    %get3A_4 = arith.constant 1 : index
    %get3A_5 = arith.constant 0 : index
    %get3A_6 = arith.constant 0 : index
    %get3A_7 = vector.load %arg1[%get3A_4, %get3A_5, %get3A_6] : memref<2x2048x128xf32, #tpu.memory_space<vmem>>, vector<1x2048x128xf32>
    %get3A_8 = vector.shape_cast %get3A_7 : vector<1x2048x128xf32> to vector<2048x128xf32>
    %add3A = arith.addf %get3A_3, %get3A_8 : vector<2048x128xf32>
    %convert_element_type3A = arith.truncf %add3A : vector<2048x128xf32> to vector<2048x128xbf16>
    %get3A_9 = arith.constant 0 : index
    %get3A_10 = arith.constant 0 : index
    %get3A_11 = vector.load %arg2[%get3A_9, %get3A_10] : memref<128x256xbf16, #tpu.memory_space<vmem>>, vector<128x256xbf16>
    %dot_general3A = arith.constant dense<0.000000e+00> : vector<2048x256xf32>
    %dot_general3A_12 = tpu.matmul %convert_element_type3A, %get3A_11, %dot_general3A {dimension_numbers = #tpu.dot_dimension_numbers<[1], [0], [0], [1], [0, 0, 1, 1], [], []>, transpose_lhs_hint = false} : vector<2048x128xbf16>, vector<128x256xbf16>, vector<2048x256xf32> -> vector<2048x256xf32>
    %max3A = arith.constant 0.000000e+00 : f32
    %max3A_13 = vector.broadcast %max3A : f32 to vector<2048x256xf32>
    %max3A_14 = arith.maximumf %dot_general3A_12, %max3A_13 : vector<2048x256xf32>
    %convert_element_type3A_15 = arith.truncf %max3A_14 : vector<2048x256xf32> to vector<2048x256xbf16>
    %get3A_16 = arith.constant 0 : index
    %get3A_17 = arith.constant 0 : index
    %get3A_18 = vector.load %arg3[%get3A_16, %get3A_17] : memref<256x128xbf16, #tpu.memory_space<vmem>>, vector<256x128xbf16>
    %dot_general3A_19 = arith.constant dense<0.000000e+00> : vector<2048x128xf32>
    %dot_general3A_20 = tpu.matmul %convert_element_type3A_15, %get3A_18, %dot_general3A_19 {dimension_numbers = #tpu.dot_dimension_numbers<[1], [0], [0], [1], [0, 0, 1, 1], [], []>, transpose_lhs_hint = false} : vector<2048x256xbf16>, vector<256x128xbf16>, vector<2048x128xf32> -> vector<2048x128xf32>
    %swap3A = arith.constant 0 : index
    %swap3A_21 = arith.constant 0 : index
    %swap3A_22 = vector.load %arg4[%swap3A, %swap3A_21] : memref<2048x128xf32, #tpu.memory_space<vmem>>, vector<2048x128xf32>
    tpu.vector_store %arg4[%swap3A, %swap3A_21], %dot_general3A_20 {strides = array<i32>} : memref<2048x128xf32, #tpu.memory_space<vmem>>, vector<2048x128xf32>,
    return
  }
  func.func @transform_0(%arg0: i32) -> (i32, i32, i32) {
    %c0_i32 = arith.constant 0 : i32
    %c0_i32_0 = arith.constant 0 : i32
    %c0_i32_1 = arith.constant 0 : i32
    return %c0_i32, %arg0, %c0_i32_0 : i32, i32, i32
  }
  func.func @transform_1(%arg0: i32) -> (i32, i32) {
    %c0_i32 = arith.constant 0 : i32
    %c0_i32_0 = arith.constant 0 : i32
    %c0_i32_1 = arith.constant 0 : i32
    return %c0_i32, %c0_i32_0 : i32, i32
  }
  func.func @transform_2(%arg0: i32) -> (i32, i32) {
    %c0_i32 = arith.constant 0 : i32
    %c0_i32_0 = arith.constant 0 : i32
    %c0_i32_1 = arith.constant 0 : i32
    return %c0_i32, %c0_i32_0 : i32, i32
  }
  func.func @transform_3(%arg0: i32) -> (i32, i32) {
    %c0_i32 = arith.constant 0 : i32
    %c0_i32_0 = arith.constant 0 : i32
    return %arg0, %c0_i32 : i32, i32
  }
}

</mosaic_0001>

<sc_bundles>
// kernel: kernel.5.cloned.1.call-start
scs
__scs_entry_jumppad:
0x0: {  	(pc) =	sbr.rel $0x88, $3  }
0x1: {  	(tag) =	ssettag $0x0;
	lr =	simm.s32 $0x1  }
0x2: {  	[smem:$0x3F9B] =	sst lr;
	_ =	strace $0xD0000000  }
0x3: {  	_ = 	snop  }
0x4: {  	_ = 	snop  }
0x5: {  	_ = 	snop  }
0x6: {  	_ = 	snop  }
0x7: {  	_ = 	snop  }
__scs_overlays_trampoline_lowered:
0x8: {  	[smem:$0x3FAA] =	sst s0  }
0x9: {  	[smem:$0x3FAB] =	sst s1  }
0xa: {  	[smem:$0x3FAC] =	sst s2  }
0xb: {  	[smem:$0x3FAD] =	sst s3  }
0xc: {  	[smem:$0x3FAE] =	sst s4  }
0xd: {  	[smem:$0x3FAF] =	sst s5  }
0xe: {  	[smem:$0x3FB0] =	sst s6  }
0xf: {  	[smem:$0x3FB1] =	sst s7  }
0x10: {  	[smem:$0x3FB2] =	sst s8  }
0x11: {  	[smem:$0x3FB3] =	sst s9;
	s0 =	simm.s32 @!p0 $0x0  }
0x12: {  	s1 =	sld [smem:$0x3F99];
	s0 =	simm.s32 @p0 $0x1  }
0x13: {  	[smem:$0x3FB4] =	sst s0;
	s0 =	simm.s32 @!p1 $0x0  }
0x14: {  	s2 =	sld [smem:$0x3F98];
	s0 =	simm.s32 @p1 $0x1  }
0x15: {  	[smem:$0x3FB5] =	sst s0;
	s0 =	simm.s32 @!p2 $0x0  }
0x16: {  	s3 =	sld [smem:$0x3FDB];
	s0 =	simm.s32 @p2 $0x1  }
0x17: {  	s4 =	simm.s32 $0x1BF5;
	[smem:$0x3FB7] =	sst s0  }
0x18: {  	s0 =	sld [smem:$0x3F9A];
	_ =	swait.ge [sflag:s4], $0x0  }
0x19: {  	s7 =	sld [smem:$0x3F9B]  }
0x1a: {  	s8 =	sadd.s32 $0xFFFFE003, lr  }
0x1b: {  	s9 =	sadd.s32 $0xFFFFFEF7, lr;
	s5 =	simm.s32 $0xFFFFFFFF;
	p2 =	slt.u32 s8, $0xFFFFF086  }
0x1c: {  	p1 =	slt.u32 s9, $0xF7A;
	s5 =	simm.s32 @!p2 $0x0  }
0x1d: {  	s5 =	simm.s32 @p1 $0x1;
	p0 =	seq.s32 s7, s2  }
0x1e: {  	s7 =	smul.u32 @!p0 $0xF7A, s2;
	p2 =	seq.s32 @!p0 s5, $0x0  }
0x1f: {  	s9 =	smul.u32 $0xF7A, s1;
	s8 =	simm.s32 @!p0 $0x1BF5;
	p2 =	por !p2, p0  }
0x20: {  	[sflag:s8] =	ssyncset.s32 @!p0 $0xFFFFF086;
	s6 =	sadd.s32 @!p0 s3, s7;
	s7 =	simm.s32 @!p0 $0x108  }
0x21: {  	s3 =	sadd.s32 s3, s9;
	s6 =	sadd.s32 @!p0 $0x88, s6;
	s7 =	simm.s32 @p2 $0x1082  }
0x22: {  	[simem:s7], [sflag:s8] =	dma.local @!p0 [hbm:s6], $0xF7A  }
0x23: {  	s9 =	sor.u32 $0xD0000000, s2;
	s6 =	simm.s32 $0x108;
	_ =	swait.ge @!p0 [sflag:s8], $0x0  }
0x24: {  	s3 =	sadd.s32 $0x88, s3;
	s6 =	simm.s32 @!p1 $0x1082;
	[sflag:s4] =	ssyncset.s32 $0xFFFFF086  }
0x25: {  	[simem:s6], [sflag:s4] =	dma.local [hbm:s3], $0xF7A  }
0x26: {  	[smem:$0x3F9B] =	sst s1;
	(tag) =	ssettag s2;
	_ =	strace s9  }
0x27: {  	s1 =	sld [smem:$0x3FAB]  }
0x28: {  	s2 =	sld [smem:$0x3FAC]  }
0x29: {  	s4 =	sld [smem:$0x3FAE]  }
0x2a: {  	p0 =	seq.s32 s5, $0x0;
	s5 =	sld [smem:$0x3FAF]  }
0x2b: {  	s6 =	sld [smem:$0x3FB0]  }
0x2c: {  	s7 =	sld [smem:$0x3FB1]  }
0x2d: {  	s3 =	simm.s32 $0x108;
	s8 =	sld [smem:$0x3FB2]  }
0x2e: {  	s3 =	simm.s32 @!p0 $0x1082;
	s9 =	sld [smem:$0x3FB3]  }
0x2f: {  	lr =	sadd.s32 s0, s3;
	s0 =	sld [smem:$0x3FAA]  }
0x30: {  	s3 =	sld [smem:$0x3FAD]  }
0x31: {  	[smem:$0x3FB6] =	sst s10  }
0x32: {  	s10 =	sld [smem:$0x3FB4];
	_ =	sdelay $0x3  }
0x33: {  	p0 =	seq.s32 s10, $0x1;
	s10 =	sld [smem:$0x3FB6];
	_ =	sdelay $0x3  }
0x34: {  	[smem:$0x3FB6] =	sst s10  }
0x35: {  	s10 =	sld [smem:$0x3FB5];
	_ =	sdelay $0x3  }
0x36: {  	p1 =	seq.s32 s10, $0x1;
	s10 =	sld [smem:$0x3FB6];
	_ =	sdelay $0x3  }
0x37: {  	[smem:$0x3FB6] =	sst s10  }
0x38: {  	s10 =	sld [smem:$0x3FB7]  }
0x39: {  	_ = 	snop;
	(pc) =	sbr.ind lr, $3  }
0x3a: {  	_ = 	snop  }
0x3b: {  	_ = 	snop  }
0x3c: {  	p2 =	seq.s32 s10, $0x1;
	s10 =	sld [smem:$0x3FB6]  }
0x3d: {  	_ =	shalt  }
0x3e: {  	_ =	shalt  }
0x3f: {  	_ =	shalt  }
0x40: {  	_ =	shalt  }
0x41: {  	_ =	shalt  }
0x42: {  	_ =	shalt  }
0x43: {  	_ =	shalt  }
0x44: {  	_ =	shalt  }
0x45: {  	_ =	shalt  }
0x46: {  	_ =	shalt  }
0x47: {  	_ =	shalt  }
0x48: {  	_ =	shalt  }
0x49: {  	_ =	shalt  }
0x4a: {  	_ =	shalt  }
0x4b: {  	_ =	shalt  }
0x4c: {  	_ =	shalt  }
0x4d: {  	_ =	shalt  }
0x4e: {  	_ =	shalt  }
0x4f: {  	_ =	shalt  }
0x50: {  	_ =	shalt  }
0x51: {  	_ =	shalt  }
0x52: {  	_ =	shalt  }
0x53: {  	_ =	shalt  }
0x54: {  	_ =	shalt  }
0x55: {  	_ =	shalt  }
0x56: {  	_ =	shalt  }
0x57: {  	_ =	shalt  }
0x58: {  	_ =	shalt  }
0x59: {  	_ =	shalt  }
0x5a: {  	_ =	shalt  }
0x5b: {  	_ =	shalt  }
0x5c: {  	_ =	shalt  }
0x5d: {  	_ =	shalt  }
0x5e: {  	_ =	shalt  }
0x5f: {  	_ =	shalt  }
0x60: {  	_ =	shalt  }
0x61: {  	_ =	shalt  }
0x62: {  	_ =	shalt  }
0x63: {  	_ =	shalt  }
0x64: {  	_ =	shalt  }
0x65: {  	_ =	shalt  }
0x66: {  	_ =	shalt  }
0x67: {  	_ =	shalt  }
0x68: {  	_ =	shalt  }
0x69: {  	_ =	shalt  }
0x6a: {  	_ =	shalt  }
0x6b: {  	_ =	shalt  }
0x6c: {  	_ =	shalt  }
0x6d: {  	_ =	shalt  }
0x6e: {  	_ =	shalt  }
0x6f: {  	_ =	shalt  }
0x70: {  	_ =	shalt  }
0x71: {  	_ =	shalt  }
0x72: {  	_ =	shalt  }
0x73: {  	_ =	shalt  }
0x74: {  	_ =	shalt  }
0x75: {  	_ =	shalt  }
0x76: {  	_ =	shalt  }
0x77: {  	_ =	shalt  }
0x78: {  	_ =	shalt  }
0x79: {  	_ =	shalt  }
0x7a: {  	_ =	shalt  }
0x7b: {  	_ =	shalt  }
0x7c: {  	_ =	shalt  }
0x7d: {  	_ =	shalt  }
0x7e: {  	_ =	shalt  }
0x7f: {  	_ =	shalt  }
0x80: {  	_ =	shalt  }
0x81: {  	_ =	shalt  }
0x82: {  	_ =	shalt  }
0x83: {  	_ =	shalt  }
0x84: {  	_ =	shalt  }
0x85: {  	_ =	shalt  }
0x86: {  	_ =	shalt  }
0x87: {  	_ =	shalt  }
.Lfunc_end0:
.L_simem_size_0:
called_computation_lowered:
.L_overlay_start_0:
0x88: {  	s2 =	sld [smem:$0x3FD9]  }
0x89: {  	s3 =	sld [smem:$0x3FFE];
	_ =	sdelay $0x1  }
0x8a: {  	s1 =	srdreg.scid  }
0x8b: {  	s0 =	sand.u32 $0x1, s1  }
0x8c: {  	s17 =	sshll.u32 s0, $0xA;
	s2 =	sadd.s32 s3, s2  }
0x8d: {  	s2 =	sadd.s32 s2, s17  }
0x8e: {  	[smem:$0x3FC2] =	sst s2  }
0x8f: {  	_ = 	snop  }
0x90: {  	s2 =	sld [smem:$0x3FD0];
	(tm) =	ssettm $0x1  }
0x91: {  	s18 =	sld [smem:$0x3FFB];
	_ =	sdelay $0x3  }
0x92: {  	_ =	strace s18  }
0x93: {  	s3 =	sld [smem:$0x3FFC];
	_ =	sdelay $0x3  }
0x94: {  	_ =	strace s3  }
0x95: {  	s3 =	sld [smem:$0x3FFD];
	_ =	sdelay $0x3  }
0x96: {  	_ =	strace s3  }
0x97: {  	_ =	strace $0x8FFFFFFF  }
0x98: {  	s19 =	sld [smem:$0x3FDB];
	_ =	sdelay $0x1  }
0x99: {  	s4 =	simm.s32 $_scs_section_size  }
0x9a: {  	s5 =	simm.s32 $_size__tile_overlayer_lowered;
	s6 =	simm.s32 $_tile_overlayer_lowered  }
0x9b: {  	s22 =	simm.s32 $0x1BFF;
	s21 =	sshll.u32 s6, $0x1;
	s3 =	sadd.s32 s4, s19  }
0x9c: {  	s7 =	simm.s32 $0x0;
	s20 =	sshll.u32 s5, $0x1;
	s5 =	sadd.s32 s21, s3  }
0x9d: {  	[timem:s7], [sflag:s22] =	dma.local [hbm:s5], s20  }
0x9e: {  	_ =	swait.ge [sflag:s22], s20  }
0x9f: {  	s4 =	ssub.s32 $0x0, s20;
	[sflag:s22] =	ssyncset.done $0x0  }
0xa0: {  	[sflag:s22] =	ssyncadd.s32 s4;
	_ =	sdelay $0x1  }
0xa1: {  	s23 =	simm.s32 $0x1B8B  }
0xa2: {  	_ =	swait.ge [sflag:s23], $0x1  }
0xa3: {  	[sflag:s23] =	ssyncset.done $0x0  }
0xa4: {  	s25 =	simm.s32 $0x1B8E;
	s24 =	sld [smem:$0x3FFE];
	[sflag:s23] =	ssyncadd.s32 $0xFFFFFFFF  }
0xa5: {  	s26 =	simm.s32 $execute0_lowered;
	[smem:$0x3FD2] =	sst s25  }
0xa6: {  	s5 =	sshll.u32 s26, $0x1;
	_ =	strace $0x80000046;
	[dreg:$0x1] =	wrdreg $0xFFFFFFFF  }
0xa7: {  	s28 =	simm.s32 $_size_execute0_lowered;
	s3 =	sadd.s32 s3, s5;
	[dreg:$0x0] =	wrdreg $0x0  }
0xa8: {  	s5 =	sshll.u32 s28, $0x1;
	[dreg:$0x2] =	wrdreg s3  }
0xa9: {  	[dreg:$0x3] =	wrdreg s5  }
0xaa: {  	[dreg:$0x4] =	wrdreg $0xC0  }
0xab: {  	_ =	task [dreg:s7], $0x5FFFF  }
0xac: {  	[dreg:$0x1] =	wrdreg $0xFFFFFFFF  }
0xad: {  	[dreg:$0x0] =	wrdreg $0x60  }
0xae: {  	[dreg:$0x2] =	wrdreg s24  }
0xaf: {  	[dreg:$0x3] =	wrdreg s2  }
0xb0: {  	[dreg:$0x4] =	wrdreg $0x90000  }
0xb1: {  	[dreg:$0x5] =	wrdreg $0x9  }
0xb2: {  	_ =	task.clear_ibuf [dreg:s7], $0x6FFFF;
	_ =	strace $0x90000046  }
0xb3: {  	s29 =	simm.s32 $0x9;
	_ =	strace $0x80000048  }
0xb4: {  	_ =	swait.ge [sflag:s29], $0x1  }
0xb5: {  	[sflag:s29] =	ssyncadd.s32 $0xFFFFFFFF  }
0xb6: {  	_ =	strace $0x90000048  }
0xb7: {  	_ =	sfence  }
0xb8: {  	s30 =	sld [smem:$0x0];
	_ =	sdelay $0x2  }
0xb9: {  	s31 =	sshll.u32 s1, $0xD;
	s1 =	sshrl.u32 s1, $0x2  }
0xba: {  	s3 =	sand.u32 $0x4000, s31;
	s1 =	sadd.s32 s1, s30  }
0xbb: {  	s0 =	sor.u32 s3, s0;
	s1 =	sshll.u32 s1, $0x11  }
0xbc: {  	s0 =	sor.u32 s1, s0  }
0xbd: {  	s0 =	sadd.s32 $0x8F2B, s0  }
0xbe: {  	[sflag:s0] =	ssyncadd.remote.s32 $0x1  }
0xbf: {  	_ =	sfence.sel $0xFFFF  }
0xc0: {  	[dreg:$0x0] =	wrdreg $0xFFFFFFFF;
	(pc) =	sbr.abs _section_cstart, $3  }
0xc1: {  	[dreg:$0x1] =	wrdreg $0xFFFFFFFF  }
0xc2: {  	_ =	task.clear_ibuf [dreg:s7], $0x2FFFF;
	_ =	strace $0x9FFFFFFF  }
0xc3: {  	(tm) =	ssettm $0x7FFFFFFF  }
tec
execute0_lowered:
.L_overlay_start_1:
0x0: {  	(tag) =	ssettag $0x1  }
0x1: {  	s5 =	rddreg [dreg:$0x0]  }
0x2: {  	s6 =	rddreg [dreg:$0x1]  }
0x3: {  	s1 =	rddreg [dreg:$0x2]  }
0x4: {  	s2 =	srdreg.scid;
	s0 =	rddreg [dreg:$0x3];
	s3 =	simm.s32 $0x0  }
0x5: {  	s16 =	simm.s32 $0x50;
	s17 =	simm.s32 $0x4;
	s18 =	simm.s32 $0x2  }
0x6: {  	s19 =	simm.s32 $0x3E00;
	s7 =	sand.u32 $0x1, s2;
	s2 =	stileid.u32  }
0x7: {  	s20 =	simm.s32 $0x0;
	[smem:$0x7FF] =	sst s3;
	s8 =	smul.u32 $0x140000, s7  }
0x8: {  	s10 =	sadd.s32 $0xA00, s5;
	s4 =	sadd.s32 $0x4E2A00, s5;
	s9 =	smul.u32 $0x14000, s2  }
0x9: {  	_ =	strace $0x80000047;
	s26 =	sshll.u32 s2, $0x1;
	s11 =	smul.u32 $0x50000, s2  }
0xa: {  	s28 =	ssub.s32 $0x2, s7;
	s14 =	smul.u32 $0x4E200, s2;
	s29 =	sshll.u32 s2, $0x6  }
0xb: {  	s15 =	smul.u32 $0x27100, s7;
	s12 =	sshrl.u32 s28, $0x1;
	s8 =	sadd.s32 s9, s8  }
0xc: {  	s9 =	sor.u32 s7, s26;
	s11 =	sshrl.u32 s11, $0x2;
	s12 =	ssub.s32 s28, s12  }
0xd: {  	s30 =	sadd.s32 s14, s10;
	s14 =	simm.s32 $0x6800;
	s8 =	sshrl.u32 s8, $0x3  }
0xe: {  	s13 =	smul.u32 $0x27100, s9;
	s11 =	sadd.s32 s11, s1;
	s9 =	sshll.u32 s9, $0xB  }
0xf: {  	s31 =	sadd.s32 s15, s30;
	s15 =	simm.s32 $0x1;
	s8 =	sadd.s32 s8, s5  }
0x10: {  	s5 =	sor.u32 $0x1C03, s29;
	s6 =	sadd.s32 s6, s9;
	s9 =	smax.u32 s12, $0x1  }
0x11: {  	s11 =	sshrl.u32 s11, $0x3;
	s12 =	simm.s32 $0x3;
	s7 =	sadd.s32 s10, s13  }
0x12: {  	s8 =	sadd.s32 $0x4E5200, s8;
	s10 =	sadd.s32 $0x500, s31;
	s13 =	simm.s32 $0x4000  }
.LBB2_1:
0x13: {  	[spmem:s11], [sflag:s5] =	dma.local [hbm:s4], $0x2800  }
0x14: {  	_ =	swait.ge [sflag:s12], $0x2800  }
0x15: {  	[sflag:s12] =	ssyncset.done $0x0  }
0x16: {  	[sflag:s12] =	ssyncadd.s32 $0xFFFFD800  }
0x17: {  	[tilespmem:s3], [sflag:$0x3] =	stream.linear.gather [hbm4b:s6+s3], $0x3E80, $0x38;
	[tilespmem:$0x1D000] =	vst v63  }
0x18: {  	_ =	swait.ge [sflag:s12], $0x3E80  }
0x19: {  	[sflag:s12] =	ssyncset.done $0x0  }
0x1a: {  	[sflag:s12] =	ssyncadd.s32 $0xFFFFC180  }
0x1b: {  	[bflag:$0x0] =	sbarrier.arrive $0xFFFF  }
0x1c: {  	[tilespmem:s13], [sflag:$0x1] =	stream.linear.gather [hbm4b:s7+s3], $0x2800, $0x38;
	[tilespmem:$0x1D000] =	vst v63  }
0x1d: {  	_ = 	snop  }
0x1e: {  	[tilespmem:s14], [sflag:$0x2] =	stream.linear.gather [hbm4b:s10+s3], $0x2800, $0x38;
	[tilespmem:$0x1D000] =	vst v63  }
0x1f: {  	_ =	swait.ge [sflag:s15], $0x2800  }
0x20: {  	[sflag:s15] =	ssyncset.done $0x0  }
0x21: {  	s21 =	simm.s32 $0x0;
	[sflag:s15] =	ssyncadd.s32 $0xFFFFD800  }
0x22: {  	[spmem:s1] =	stream.indirect.scatter.add.f32 [tilespmem:s13], [sflag:$0x4], $0x80, s21, s16, $0xb8;
	[tilespmem:$0x1D000] =	vst v63  }
0x23: {  	_ =	swait.ge [sflag:s17], $0x2800  }
0x24: {  	[sflag:s17] =	ssyncset.done $0x0  }
0x25: {  	s30 =	sadd.s32 $0x500, s10;
	[sflag:s17] =	ssyncadd.s32 $0xFFFFD800  }
0x26: {  	[tilespmem:s13], [sflag:$0x1] =	stream.linear.gather [hbm4b:s30+s3], $0x2800, $0x38;
	[tilespmem:$0x1D000] =	vst v63  }
0x27: {  	_ =	swait.ge [sflag:s18], $0x2800  }
0x28: {  	[sflag:s18] =	ssyncset.done $0x0  }
0x29: {  	s31 =	simm.s32 $0x80;
	[sflag:s18] =	ssyncadd.s32 $0xFFFFD800  }
0x2a: {  	[spmem:s1] =	stream.indirect.scatter.add.f32 [tilespmem:s14], [sflag:$0x3], $0x80, s31, s16, $0xb8;
	[tilespmem:$0x1D000] =	vst v63  }
0x2b: {  	_ =	swait.ge [sflag:s12], $0x2800  }
0x2c: {  	s22 =	smov.u32 s10;
	s21 =	simm.s32 $0x400;
	[sflag:s12] =	ssyncset.done $0x0  }
.LBB2_2:
0x2d: {  	p0 =	sne.s32 s21, $0xF400;
	[sflag:s12] =	ssyncadd.s32 $0xFFFFD800;
	s22 =	sadd.s32 $0xA00, s22  }
0x2e: {  	[tilespmem:s14], [sflag:$0x2] =	stream.linear.gather [hbm4b:s22+s3], $0x2800, $0x38;
	[tilespmem:$0x1D000] =	vst v63  }
0x2f: {  	s23 =	smov.u32 s21;
	s21 =	sadd.s32 $0x400, s21;
	_ =	swait.ge [sflag:s15], $0x2800  }
0x30: {  	[sflag:s15] =	ssyncset.done $0x0  }
0x31: {  	s23 =	sshra.s32 s23, $0x2;
	[sflag:s15] =	ssyncadd.s32 $0xFFFFD800  }
0x32: {  	[spmem:s1] =	stream.indirect.scatter.add.f32 [tilespmem:s13], [sflag:$0x4], $0x80, s23, s16, $0xb8;
	[tilespmem:$0x1D000] =	vst v63  }
0x33: {  	_ =	swait.ge [sflag:s17], $0x2800  }
0x34: {  	[sflag:s17] =	ssyncset.done $0x0  }
0x35: {  	s24 =	sadd.s32 $0x500, s22;
	[sflag:s17] =	ssyncadd.s32 $0xFFFFD800  }
0x36: {  	[tilespmem:s13], [sflag:$0x1] =	stream.linear.gather [hbm4b:s24+s3], $0x2800, $0x38;
	[tilespmem:$0x1D000] =	vst v63  }
0x37: {  	_ =	swait.ge [sflag:s18], $0x2800  }
.Ltmp0:
0x38: {  	[sflag:s18] =	ssyncset.done $0x0;
	(pc) =	sbr.rel @p0 .LBB2_2-.Ltmp0, $4  }
0x39: {  	s23 =	sadd.s32 $0x80, s23;
	[sflag:s18] =	ssyncadd.s32 $0xFFFFD800  }
0x3a: {  	[spmem:s1] =	stream.indirect.scatter.add.f32 [tilespmem:s14], [sflag:$0x3], $0x80, s23, s16, $0xb8;
	[tilespmem:$0x1D000] =	vst v63  }
0x3b: {  	_ =	swait.ge [sflag:s12], $0x2800  }
0x3c: {  	[sflag:s12] =	ssyncset.done $0x0  }
0x3d: {  	[sflag:s12] =	ssyncadd.s32 $0xFFFFD800  }
0x3e: {  	_ =	swait.ge [sflag:s15], $0x2800  }
0x3f: {  	[sflag:s15] =	ssyncset.done $0x0  }
0x40: {  	[sflag:s15] =	ssyncadd.s32 $0xFFFFD800  }
0x41: {  	[spmem:s1] =	stream.indirect.scatter.add.f32 [tilespmem:s13], [sflag:$0x4], $0x80, s19, s16, $0xb8;
	[tilespmem:$0x1D000] =	vst v63  }
0x42: {  	_ =	swait.ge [sflag:s17], $0x2800  }
0x43: {  	s20 =	sadd.s32 $0x1, s20;
	[sflag:s17] =	ssyncset.done $0x0  }
0x44: {  	p0 =	sne.s32 s20, s9;
	[sflag:s17] =	ssyncadd.s32 $0xFFFFD800  }
.Ltmp1:
0x45: {  	[bflag:$0x0] =	sbarrier.arrive $0xFFFF;
	(pc) =	sbr.rel @p0 .LBB2_1-.Ltmp1, $4  }
0x46: {  	[hbm:s8], [sflag:s5] =	dma.local [spmem:s11], $0x2800  }
0x47: {  	_ =	swait.ge [sflag:s12], $0x2800  }
0x48: {  	[sflag:s12] =	ssyncset.done $0x0  }
0x49: {  	[sflag:s12] =	ssyncadd.s32 $0xFFFFD800  }
0x4a: {  	_ =	sfence.sel $0x180000  }
0x4b: {  	[bflag:$0x0] =	sbarrier.arrive $0xFFFF  }
0x4c: {  	p0 =	sne.s32 s2, $0x0;
	_ =	strace $0x90000047  }
0x4d: {  	s0 =	sadd.s32 @!p0 $0x100000, s0;
	[bflag:$0x2] =	sbarrier.arrive $0xFFFF  }
0x4e: {  	[sflag:s0] =	ssyncadd.tile.s32 @!p0 $0x1;
	_ =	shalt  }
.Lfunc_end2:
_tile_overlayer_lowered:
.L_overlay_start_2:
0x4f: {  	(tag) =	ssettag $0x2  }
0x50: {  	s0 =	rddreg [dreg:$0x0];
	s2 =	stileid.u32  }
0x51: {  	s1 =	rddreg [dreg:$0x1];
	p0 =	sne.s32 s2, $0x0  }
0x52: {  	s3 =	rddreg [dreg:$0x2];
	[bflag:$0x3] =	sbarrier.arrive $0xFFFF;
	s2 =	simm.s32 @!p0 $0x1C03  }
0x53: {  	[timem:s3], [sflag:s2] =	dma.local @!p0 [hbm:s0], s1  }
0x54: {  	s0 =	simm.s32 @!p0 $0x3  }
0x55: {  	_ =	swait.ge @!p0 [sflag:s0], s1  }
0x56: {  	s1 =	ssub.s32 @!p0 $0x0, s1;
	[sflag:s0] =	ssyncset.done @!p0 $0x0  }
0x57: {  	[sflag:s0] =	ssyncadd.s32 @!p0 s1  }
0x58: {  	[bflag:$0x3] =	sbarrier.arrive $0xFFFF  }
0x59: {  	_ =	shalt  }

</sc_bundles>
